<compile_context>
chip_gen: v7x
topology: tpu7x:2x2x1
jax: 0.10.2.dev20260603
libtpu: 0.0.44.dev20260713+nightly
codegen_flags: <defaults>
</compile_context>

<pallas_src>
import functools

import jax
import jax.numpy as jnp
from jax import lax
from jax.experimental import pallas as pl
from jax.experimental.pallas import tpu as pltpu
from jax.experimental.pallas import tpu_sc as plsc

_NC, _NS, _LANES = 2, 16, 16
_NW = _NC * _NS
_CH = 16
_WPAD = 128


def _weight_table():
    bits = jnp.arange(64, dtype=jnp.int32)[:, None]
    grp = jnp.arange(_WPAD, dtype=jnp.int32)[None, :] // _LANES
    w = ((bits >> grp) & 1) & (grp < 6)
    return w.astype(jnp.float32)


def kernel(utterance_repre, conversation_repre, session_repre,
           state_transition_matrix, max_conversation_length):
    B, NSLOT, S, H = session_repre.shape
    L = state_transition_matrix.shape[1]
    P = B * L
    R = P * NSLOT
    pairs_per_w = P // _NW
    chunks_per_w = pairs_per_w // _CH
    ROWS = _CH * NSLOT
    batches_per_w = pairs_per_w // L
    assert pairs_per_w == batches_per_w * L and batches_per_w == 2
    assert chunks_per_w % 2 == 1

    table = session_repre.reshape(B * NSLOT * S, H)
    stm_pm = state_transition_matrix.astype(jnp.int32).reshape(-1)
    stm_sm = state_transition_matrix.astype(jnp.int32).reshape(P, NSLOT).T.reshape(-1)
    wtab = _weight_table()
    pv_c = jnp.arange(ROWS, dtype=jnp.int32) // NSLOT
    perm_c = (((jnp.arange(ROWS, dtype=jnp.int32) % NSLOT) - 1) % NSLOT) * S
    consts = jnp.concatenate([pv_c, perm_c])

    mesh = plsc.VectorSubcoreMesh(core_axis_name="c", subcore_axis_name="s")

    @functools.partial(
        pl.kernel,
        out_type=jax.ShapeDtypeStruct((B, L, NSLOT, H), jnp.float32),
        mesh=mesh,
        scratch_types=[
            pltpu.VMEM((2 * ROWS,), jnp.int32),
            pltpu.VMEM((NSLOT * pairs_per_w,), jnp.int32),
            pltpu.VMEM((NSLOT * pairs_per_w,), jnp.int32),
            pltpu.VMEM((2, ROWS), jnp.int32),
            pltpu.VMEM((2, _CH), jnp.int32),
            pltpu.VMEM((64, _WPAD), jnp.float32),
            pltpu.VMEM_SHARED((64, _WPAD), jnp.float32),
            pltpu.VMEM((2, _CH, _WPAD), jnp.float32),
            pltpu.VMEM((2, ROWS, H), jnp.float32),
            pltpu.SemaphoreType.DMA,
            pltpu.SemaphoreType.DMA,
            pltpu.SemaphoreType.DMA,
            pltpu.SemaphoreType.DMA,
            pltpu.SemaphoreType.DMA,
            pltpu.SemaphoreType.DMA,
        ],
    )
    def run(table_hbm, stm_pm_hbm, stm_sm_hbm, wtab_hbm, consts_hbm, out_hbm,
            cbuf, stm_p, stm_s, gidx, widx, wloc, wsh, wbuf, gbuf,
            gsem0, gsem1, wsem0, wsem1, ssem0, ssem1):
        gsem = [gsem0, gsem1]
        wsem = [wsem0, wsem1]
        ssem = [ssem0, ssem1]
        wid = lax.axis_index("s") * _NC + lax.axis_index("c")
        lane = lax.iota(jnp.int32, _LANES)

        pltpu.sync_copy(wtab_hbm, wloc)
        pltpu.sync_copy(wloc, wsh)
        pltpu.sync_copy(consts_hbm, cbuf)
        pltpu.sync_copy(stm_pm_hbm.at[pl.ds(wid * NSLOT * pairs_per_w,
                                            NSLOT * pairs_per_w)], stm_p)
        for j in range(NSLOT):
            pltpu.sync_copy(
                stm_sm_hbm.at[pl.ds(j * P + wid * pairs_per_w, pairs_per_w)],
                stm_s.at[pl.ds(j * pairs_per_w, pairs_per_w)])
        plsc.subcore_barrier()

        def out_copy(k, b):
            row0 = (wid * pairs_per_w + k * _CH) * NSLOT
            return pltpu.make_async_copy(
                gbuf.at[b], out_hbm.at[pl.ds(row0, ROWS)], ssem[b])

        def fire(k, b):
            for g in range(NSLOT):
                i0 = g * _LANES
                pv = cbuf[pl.ds(i0, _LANES)]
                perm = cbuf[pl.ds(ROWS + i0, _LANES)]
                sv = stm_p[pl.ds(k * ROWS + i0, _LANES)]
                off = k * _CH + pv
                bbase = (wid * batches_per_w
                         + jnp.where(off >= L, 1, 0)) * (NSLOT * S)
                gidx[b, pl.ds(i0, _LANES)] = (
                    bbase + perm + jnp.clip(sv - 1, 0, S - 1))

            masks = []
            for j in range(NSLOT):
                sj = stm_s[pl.ds(j * pairs_per_w + k * _CH, _CH)]
                masks.append(sj != 0)
            mi = [jnp.where(m, 1, 0) for m in masks]
            take4 = masks[4] & (mi[0] + mi[1] + mi[2] + mi[3] < 4)
            widx[b, :] = (mi[0] + 2 * mi[1] + 4 * mi[2] + 8 * mi[3]
                          + 16 * mi[4] + 32 * jnp.where(take4, 1, 0))

            row0l = (wid * pairs_per_w + k * _CH) * NSLOT
            pass

        def fixup(b):
            @pl.loop(0, 0)
            def pair_loop(p):
                m = [wbuf[b, p, pl.ds(j * _LANES, _LANES)] for j in range(NSLOT)]
                t4 = wbuf[b, p, pl.ds(NSLOT * _LANES, _LANES)]

                @pl.loop(0, H // _LANES, unroll=4)
                def col_loop(c):
                    cols = pl.ds(c * _LANES, _LANES)
                    g = [gbuf[b, p * NSLOT + j, cols] for j in range(NSLOT)]
                    u = [m[j] * g[j] for j in range(NSLOT)]
                    acc = ((u[0] + u[1]) + (u[2] + u[3]) + t4 * g[4]) * 0.25
                    for j in range(1, NSLOT):
                        gbuf[b, p * NSLOT + j, cols] = u[j]
                    gbuf[b, p * NSLOT, cols] = acc


        @pl.loop(0, 0, step=2)
        def chunk_loop(k0):
            for b in range(2):
                k = k0 + b

                @pl.when(k < chunks_per_w)
                def _body():
                    bn = 1 - b



                    @pl.when(k < chunks_per_w - 1)
                    def _fire_next():
                        fire(k + 1, bn)

                    pass

                    fixup(b)

                    pass



    out = run(table, stm_pm, stm_sm, wtab, consts)
    return out

# --- scband reference (transcript-rebuilt; emitter-appended) ---
"""Pipeline reference for scband-state-matrix-encoder-27650999452552 (READ-ONLY COPY).

The authoritative reference and input builder live on the scoring server;
editing this copy changes nothing except your own understanding.
"""

import jax, jax.numpy as jnp
import numpy as np


def setup_inputs(seed: int = 0) -> dict:
    key = jax.random.key(seed)
    k1, k2, k3, k4 = jax.random.split(key, 4)
    B, L, S, H = 64, 200, 200, 512
    return {
        "utterance_repre": jax.random.normal(k1, (B, L, H), dtype=jnp.float32),
        "conversation_repre": jax.random.normal(k2, (B, H), dtype=jnp.float32),
        "session_repre": jax.random.normal(k3, (B, 5, S, H), dtype=jnp.float32),
        "state_transition_matrix": jax.random.randint(k4, (B, L, 5), 0, 200, dtype=jnp.int64),
        "max_conversation_length": 200,
    }


def reference(utterance_repre, conversation_repre, session_repre, state_transition_matrix, max_conversation_length):
    # Faithful vectorization of StateMatrixEncoder.forward / build_state_matrix.
    # For each (b, i, j): if stm[b,i,j] != 0 then
    #     state_matrix[b,i,j] = session_repre[b, j-1, stm[b,i,j]-1]
    # (note j-1 == -1 for j==0, i.e. python negative indexing -> last slot).
    # Then state_matrix[b,i,0] is overwritten with AvgPool2d((4,1)) over the
    # concatenated nonzero entries, i.e. the mean of the FIRST 4 nonzero
    # gathered vectors divided by kernel size 4.
    B, _, H = utterance_repre.shape
    L = max_conversation_length
    S = session_repre.shape[2]
    stm = state_transition_matrix  # [B, L, 5]
    mask = (stm != 0)  # [B, L, 5]
    pos_safe = jnp.clip(stm - 1, 0, S - 1)  # [B, L, 5]
    gathered_list = []
    for j in range(5):
        src = session_repre[:, (j - 1) % 5]  # [B, S, H]  (j-1 with python wraparound)
        idx = pos_safe[:, :, j][..., None]  # [B, L, 1]
        g = jnp.take_along_axis(src, idx, axis=1)  # [B, L, H] gather
        gathered_list.append(g)
    gathered = jnp.stack(gathered_list, axis=2)  # [B, L, 5, H]
    maskf = mask.astype(gathered.dtype)
    state_matrix = gathered * maskf[..., None]  # zeros where stm == 0
    # AvgPool2d((4,1)) over the ordered list of nonzero entries: first window
    # averages the first 4 nonzero entries (sum / 4).
    order = jnp.cumsum(maskf, axis=2) - 1.0  # position within one_res
    take = maskf * (order < 4.0).astype(gathered.dtype)  # select first 4 nonzero
    pooled = jnp.einsum('blj,bljh->blh', take, gathered) / 4.0  # [B, L, H]
    state_matrix = state_matrix.at[:, :, 0, :].set(pooled)  # scatter-overwrite slot 0
    return state_matrix

if __name__ == "__main__":
    import jax
    _d = setup_inputs()
    print(jax.jit(kernel)(*tuple(_d.values())))

</pallas_src>

<mosaic_0001>
#map = affine_map<(d0, d1) -> (0, 0)>
#map1 = affine_map<(d0, d1) -> (0)>
#map2 = affine_map<(d0, d1) -> (0, 0, 0, 0)>
module attributes {stable_mosaic.version = 14 : i64} {
  func.func @run(%arg0: i32, %arg1: i32, %arg2: memref<64000x512xf32, #tpu.memory_space<hbm>>, %arg3: memref<64000xi32, #tpu.memory_space<hbm>>, %arg4: memref<64000xi32, #tpu.memory_space<hbm>>, %arg5: memref<64x128xf32, #tpu.memory_space<hbm>>, %arg6: memref<160xi32, #tpu.memory_space<hbm>>, %arg7: memref<64x200x5x512xf32, #tpu.memory_space<hbm>>, %arg8: memref<160xi32, #tpu.memory_space<vmem>>, %arg9: memref<2000xi32, #tpu.memory_space<vmem>>, %arg10: memref<2000xi32, #tpu.memory_space<vmem>>, %arg11: memref<2x80xi32, #tpu.memory_space<vmem>>, %arg12: memref<2x16xi32, #tpu.memory_space<vmem>>, %arg13: memref<64x128xf32, #tpu.memory_space<vmem>>, %arg14: memref<64x128xf32, #tpu.memory_space<vmem_shared>>, %arg15: memref<2x16x128xf32, #tpu.memory_space<vmem>>, %arg16: memref<2x80x512xf32, #tpu.memory_space<vmem>>, %arg17: memref<!tpu.dma_semaphore, #tpu.memory_space<semaphore_mem>>, %arg18: memref<!tpu.dma_semaphore, #tpu.memory_space<semaphore_mem>>, %arg19: memref<!tpu.dma_semaphore, #tpu.memory_space<semaphore_mem>>, %arg20: memref<!tpu.dma_semaphore, #tpu.memory_space<semaphore_mem>>, %arg21: memref<!tpu.dma_semaphore, #tpu.memory_space<semaphore_mem>>, %arg22: memref<!tpu.dma_semaphore, #tpu.memory_space<semaphore_mem>>) attributes {dimension_semantics = [#tpu.dimension_semantics<core_parallel>, #tpu.dimension_semantics<subcore_parallel>], iteration_bounds = array<i64: 2, 16>, scalar_prefetch = 0 : i64, scratch_operands = 15 : i64, tpu.core_type = #tpu.core_type<sc_vector_subcore>, window_params = [{transform_indices = #map}, {transform_indices = #map1}, {transform_indices = #map1}, {transform_indices = #map}, {transform_indices = #map1}, {transform_indices = #map2}]} {
    %mul3A = arith.constant 2 : i32
    %mul3A_0 = arith.muli %arg1, %mul3A : i32
    %add3A = arith.addi %mul3A_0, %arg0 : i32
    %iota3A = tpu.iota {dimensions = array<i32: 0>} : vector<16xi32>
    "tpu.region"() ({
      %run_scoped3A = tpu.sem_alloc : memref<!tpu.dma_semaphore, #tpu.memory_space<semaphore_mem>>
      tpu.enqueue_dma source(%arg5 : memref<64x128xf32, #tpu.memory_space<hbm>>) target(%arg13 : memref<64x128xf32, #tpu.memory_space<vmem>>) target_semaphore(%run_scoped3A : memref<!tpu.dma_semaphore, #tpu.memory_space<semaphore_mem>>)
      tpu.wait_dma2 semaphore(%run_scoped3A : memref<!tpu.dma_semaphore, #tpu.memory_space<semaphore_mem>>) src(%arg5 : memref<64x128xf32, #tpu.memory_space<hbm>>) dst(%arg13 : memref<64x128xf32, #tpu.memory_space<vmem>>)
      tpu.yield
    }) : () -> ()
    "tpu.region"() ({
      %run_scoped3A = tpu.sem_alloc : memref<!tpu.dma_semaphore, #tpu.memory_space<semaphore_mem>>
      tpu.enqueue_dma source(%arg13 : memref<64x128xf32, #tpu.memory_space<vmem>>) target(%arg14 : memref<64x128xf32, #tpu.memory_space<vmem_shared>>) target_semaphore(%run_scoped3A : memref<!tpu.dma_semaphore, #tpu.memory_space<semaphore_mem>>)
      tpu.wait_dma2 semaphore(%run_scoped3A : memref<!tpu.dma_semaphore, #tpu.memory_space<semaphore_mem>>) src(%arg13 : memref<64x128xf32, #tpu.memory_space<vmem>>) dst(%arg14 : memref<64x128xf32, #tpu.memory_space<vmem_shared>>)
      tpu.yield
    }) : () -> ()
    "tpu.region"() ({
      %run_scoped3A = tpu.sem_alloc : memref<!tpu.dma_semaphore, #tpu.memory_space<semaphore_mem>>
      tpu.enqueue_dma source(%arg6 : memref<160xi32, #tpu.memory_space<hbm>>) target(%arg8 : memref<160xi32, #tpu.memory_space<vmem>>) target_semaphore(%run_scoped3A : memref<!tpu.dma_semaphore, #tpu.memory_space<semaphore_mem>>)
      tpu.wait_dma2 semaphore(%run_scoped3A : memref<!tpu.dma_semaphore, #tpu.memory_space<semaphore_mem>>) src(%arg6 : memref<160xi32, #tpu.memory_space<hbm>>) dst(%arg8 : memref<160xi32, #tpu.memory_space<vmem>>)
      tpu.yield
    }) : () -> ()
    %mul3A_1 = arith.constant 5 : i32
    %mul3A_2 = arith.muli %add3A, %mul3A_1 : i32
    %mul3A_3 = arith.constant 400 : i32
    %mul3A_4 = arith.muli %mul3A_2, %mul3A_3 : i32
    "tpu.region"() ({
      %run_scoped3A = tpu.sem_alloc : memref<!tpu.dma_semaphore, #tpu.memory_space<semaphore_mem>>
      %dma_start3A = tpu.memref_slice %arg3[%mul3A_4] : memref<64000xi32, #tpu.memory_space<hbm>> -> memref<2000xi32, #tpu.memory_space<hbm>>
      %dma_start3A_28 = tpu.memref_slice %arg3[%mul3A_4] : memref<64000xi32, #tpu.memory_space<hbm>> -> memref<2000xi32, #tpu.memory_space<hbm>>
      tpu.enqueue_dma source(%dma_start3A_28 : memref<2000xi32, #tpu.memory_space<hbm>>) target(%arg9 : memref<2000xi32, #tpu.memory_space<vmem>>) target_semaphore(%run_scoped3A : memref<!tpu.dma_semaphore, #tpu.memory_space<semaphore_mem>>)
      %dma_wait3A = tpu.memref_slice %arg3[%mul3A_4] : memref<64000xi32, #tpu.memory_space<hbm>> -> memref<2000xi32, #tpu.memory_space<hbm>>
      %dma_wait3A_29 = tpu.memref_slice %arg3[%mul3A_4] : memref<64000xi32, #tpu.memory_space<hbm>> -> memref<2000xi32, #tpu.memory_space<hbm>>
      tpu.wait_dma2 semaphore(%run_scoped3A : memref<!tpu.dma_semaphore, #tpu.memory_space<semaphore_mem>>) src(%dma_wait3A_29 : memref<2000xi32, #tpu.memory_space<hbm>>) dst(%arg9 : memref<2000xi32, #tpu.memory_space<vmem>>)
      tpu.yield
    }) : () -> ()
    %mul3A_5 = arith.constant 400 : i32
    %mul3A_6 = arith.muli %add3A, %mul3A_5 : i32
    %add3A_7 = arith.constant 0 : i32
    %add3A_8 = arith.addi %add3A_7, %mul3A_6 : i32
    "tpu.region"() ({
      %run_scoped3A = tpu.sem_alloc : memref<!tpu.dma_semaphore, #tpu.memory_space<semaphore_mem>>
      %dma_start3A = arith.constant 0 : i32
      %dma_start3A_28 = tpu.memref_slice %arg10[%dma_start3A] : memref<2000xi32, #tpu.memory_space<vmem>> -> memref<400xi32, #tpu.memory_space<vmem>>
      %dma_start3A_29 = tpu.memref_slice %arg4[%add3A_8] : memref<64000xi32, #tpu.memory_space<hbm>> -> memref<400xi32, #tpu.memory_space<hbm>>
      %dma_start3A_30 = arith.constant 0 : i32
      %dma_start3A_31 = tpu.memref_slice %arg10[%dma_start3A_30] : memref<2000xi32, #tpu.memory_space<vmem>> -> memref<400xi32, #tpu.memory_space<vmem>>
      %dma_start3A_32 = tpu.memref_slice %arg4[%add3A_8] : memref<64000xi32, #tpu.memory_space<hbm>> -> memref<400xi32, #tpu.memory_space<hbm>>
      tpu.enqueue_dma source(%dma_start3A_32 : memref<400xi32, #tpu.memory_space<hbm>>) target(%dma_start3A_31 : memref<400xi32, #tpu.memory_space<vmem>>) target_semaphore(%run_scoped3A : memref<!tpu.dma_semaphore, #tpu.memory_space<semaphore_mem>>)
      %dma_wait3A = arith.constant 0 : i32
      %dma_wait3A_33 = tpu.memref_slice %arg10[%dma_wait3A] : memref<2000xi32, #tpu.memory_space<vmem>> -> memref<400xi32, #tpu.memory_space<vmem>>
      %dma_wait3A_34 = tpu.memref_slice %arg4[%add3A_8] : memref<64000xi32, #tpu.memory_space<hbm>> -> memref<400xi32, #tpu.memory_space<hbm>>
      %dma_wait3A_35 = arith.constant 0 : i32
      %dma_wait3A_36 = tpu.memref_slice %arg10[%dma_wait3A_35] : memref<2000xi32, #tpu.memory_space<vmem>> -> memref<400xi32, #tpu.memory_space<vmem>>
      %dma_wait3A_37 = tpu.memref_slice %arg4[%add3A_8] : memref<64000xi32, #tpu.memory_space<hbm>> -> memref<400xi32, #tpu.memory_space<hbm>>
      tpu.wait_dma2 semaphore(%run_scoped3A : memref<!tpu.dma_semaphore, #tpu.memory_space<semaphore_mem>>) src(%dma_wait3A_37 : memref<400xi32, #tpu.memory_space<hbm>>) dst(%dma_wait3A_36 : memref<400xi32, #tpu.memory_space<vmem>>)
      tpu.yield
    }) : () -> ()
    %mul3A_9 = arith.constant 400 : i32
    %mul3A_10 = arith.muli %add3A, %mul3A_9 : i32
    %add3A_11 = arith.constant 12800 : i32
    %add3A_12 = arith.addi %add3A_11, %mul3A_10 : i32
    "tpu.region"() ({
      %run_scoped3A = tpu.sem_alloc : memref<!tpu.dma_semaphore, #tpu.memory_space<semaphore_mem>>
      %dma_start3A = arith.constant 400 : i32
      %dma_start3A_28 = tpu.memref_slice %arg10[%dma_start3A] : memref<2000xi32, #tpu.memory_space<vmem>> -> memref<400xi32, #tpu.memory_space<vmem>>
      %dma_start3A_29 = tpu.memref_slice %arg4[%add3A_12] : memref<64000xi32, #tpu.memory_space<hbm>> -> memref<400xi32, #tpu.memory_space<hbm>>
      %dma_start3A_30 = arith.constant 400 : i32
      %dma_start3A_31 = tpu.memref_slice %arg10[%dma_start3A_30] : memref<2000xi32, #tpu.memory_space<vmem>> -> memref<400xi32, #tpu.memory_space<vmem>>
      %dma_start3A_32 = tpu.memref_slice %arg4[%add3A_12] : memref<64000xi32, #tpu.memory_space<hbm>> -> memref<400xi32, #tpu.memory_space<hbm>>
      tpu.enqueue_dma source(%dma_start3A_32 : memref<400xi32, #tpu.memory_space<hbm>>) target(%dma_start3A_31 : memref<400xi32, #tpu.memory_space<vmem>>) target_semaphore(%run_scoped3A : memref<!tpu.dma_semaphore, #tpu.memory_space<semaphore_mem>>)
      %dma_wait3A = arith.constant 400 : i32
      %dma_wait3A_33 = tpu.memref_slice %arg10[%dma_wait3A] : memref<2000xi32, #tpu.memory_space<vmem>> -> memref<400xi32, #tpu.memory_space<vmem>>
      %dma_wait3A_34 = tpu.memref_slice %arg4[%add3A_12] : memref<64000xi32, #tpu.memory_space<hbm>> -> memref<400xi32, #tpu.memory_space<hbm>>
      %dma_wait3A_35 = arith.constant 400 : i32
      %dma_wait3A_36 = tpu.memref_slice %arg10[%dma_wait3A_35] : memref<2000xi32, #tpu.memory_space<vmem>> -> memref<400xi32, #tpu.memory_space<vmem>>
      %dma_wait3A_37 = tpu.memref_slice %arg4[%add3A_12] : memref<64000xi32, #tpu.memory_space<hbm>> -> memref<400xi32, #tpu.memory_space<hbm>>
      tpu.wait_dma2 semaphore(%run_scoped3A : memref<!tpu.dma_semaphore, #tpu.memory_space<semaphore_mem>>) src(%dma_wait3A_37 : memref<400xi32, #tpu.memory_space<hbm>>) dst(%dma_wait3A_36 : memref<400xi32, #tpu.memory_space<vmem>>)
      tpu.yield
    }) : () -> ()
    %mul3A_13 = arith.constant 400 : i32
    %mul3A_14 = arith.muli %add3A, %mul3A_13 : i32
    %add3A_15 = arith.constant 25600 : i32
    %add3A_16 = arith.addi %add3A_15, %mul3A_14 : i32
    "tpu.region"() ({
      %run_scoped3A = tpu.sem_alloc : memref<!tpu.dma_semaphore, #tpu.memory_space<semaphore_mem>>
      %dma_start3A = arith.constant 800 : i32
      %dma_start3A_28 = tpu.memref_slice %arg10[%dma_start3A] : memref<2000xi32, #tpu.memory_space<vmem>> -> memref<400xi32, #tpu.memory_space<vmem>>
      %dma_start3A_29 = tpu.memref_slice %arg4[%add3A_16] : memref<64000xi32, #tpu.memory_space<hbm>> -> memref<400xi32, #tpu.memory_space<hbm>>
      %dma_start3A_30 = arith.constant 800 : i32
      %dma_start3A_31 = tpu.memref_slice %arg10[%dma_start3A_30] : memref<2000xi32, #tpu.memory_space<vmem>> -> memref<400xi32, #tpu.memory_space<vmem>>
      %dma_start3A_32 = tpu.memref_slice %arg4[%add3A_16] : memref<64000xi32, #tpu.memory_space<hbm>> -> memref<400xi32, #tpu.memory_space<hbm>>
      tpu.enqueue_dma source(%dma_start3A_32 : memref<400xi32, #tpu.memory_space<hbm>>) target(%dma_start3A_31 : memref<400xi32, #tpu.memory_space<vmem>>) target_semaphore(%run_scoped3A : memref<!tpu.dma_semaphore, #tpu.memory_space<semaphore_mem>>)
      %dma_wait3A = arith.constant 800 : i32
      %dma_wait3A_33 = tpu.memref_slice %arg10[%dma_wait3A] : memref<2000xi32, #tpu.memory_space<vmem>> -> memref<400xi32, #tpu.memory_space<vmem>>
      %dma_wait3A_34 = tpu.memref_slice %arg4[%add3A_16] : memref<64000xi32, #tpu.memory_space<hbm>> -> memref<400xi32, #tpu.memory_space<hbm>>
      %dma_wait3A_35 = arith.constant 800 : i32
      %dma_wait3A_36 = tpu.memref_slice %arg10[%dma_wait3A_35] : memref<2000xi32, #tpu.memory_space<vmem>> -> memref<400xi32, #tpu.memory_space<vmem>>
      %dma_wait3A_37 = tpu.memref_slice %arg4[%add3A_16] : memref<64000xi32, #tpu.memory_space<hbm>> -> memref<400xi32, #tpu.memory_space<hbm>>
      tpu.wait_dma2 semaphore(%run_scoped3A : memref<!tpu.dma_semaphore, #tpu.memory_space<semaphore_mem>>) src(%dma_wait3A_37 : memref<400xi32, #tpu.memory_space<hbm>>) dst(%dma_wait3A_36 : memref<400xi32, #tpu.memory_space<vmem>>)
      tpu.yield
    }) : () -> ()
    %mul3A_17 = arith.constant 400 : i32
    %mul3A_18 = arith.muli %add3A, %mul3A_17 : i32
    %add3A_19 = arith.constant 38400 : i32
    %add3A_20 = arith.addi %add3A_19, %mul3A_18 : i32
    "tpu.region"() ({
      %run_scoped3A = tpu.sem_alloc : memref<!tpu.dma_semaphore, #tpu.memory_space<semaphore_mem>>
      %dma_start3A = arith.constant 1200 : i32
      %dma_start3A_28 = tpu.memref_slice %arg10[%dma_start3A] : memref<2000xi32, #tpu.memory_space<vmem>> -> memref<400xi32, #tpu.memory_space<vmem>>
      %dma_start3A_29 = tpu.memref_slice %arg4[%add3A_20] : memref<64000xi32, #tpu.memory_space<hbm>> -> memref<400xi32, #tpu.memory_space<hbm>>
      %dma_start3A_30 = arith.constant 1200 : i32
      %dma_start3A_31 = tpu.memref_slice %arg10[%dma_start3A_30] : memref<2000xi32, #tpu.memory_space<vmem>> -> memref<400xi32, #tpu.memory_space<vmem>>
      %dma_start3A_32 = tpu.memref_slice %arg4[%add3A_20] : memref<64000xi32, #tpu.memory_space<hbm>> -> memref<400xi32, #tpu.memory_space<hbm>>
      tpu.enqueue_dma source(%dma_start3A_32 : memref<400xi32, #tpu.memory_space<hbm>>) target(%dma_start3A_31 : memref<400xi32, #tpu.memory_space<vmem>>) target_semaphore(%run_scoped3A : memref<!tpu.dma_semaphore, #tpu.memory_space<semaphore_mem>>)
      %dma_wait3A = arith.constant 1200 : i32
      %dma_wait3A_33 = tpu.memref_slice %arg10[%dma_wait3A] : memref<2000xi32, #tpu.memory_space<vmem>> -> memref<400xi32, #tpu.memory_space<vmem>>
      %dma_wait3A_34 = tpu.memref_slice %arg4[%add3A_20] : memref<64000xi32, #tpu.memory_space<hbm>> -> memref<400xi32, #tpu.memory_space<hbm>>
      %dma_wait3A_35 = arith.constant 1200 : i32
      %dma_wait3A_36 = tpu.memref_slice %arg10[%dma_wait3A_35] : memref<2000xi32, #tpu.memory_space<vmem>> -> memref<400xi32, #tpu.memory_space<vmem>>
      %dma_wait3A_37 = tpu.memref_slice %arg4[%add3A_20] : memref<64000xi32, #tpu.memory_space<hbm>> -> memref<400xi32, #tpu.memory_space<hbm>>
      tpu.wait_dma2 semaphore(%run_scoped3A : memref<!tpu.dma_semaphore, #tpu.memory_space<semaphore_mem>>) src(%dma_wait3A_37 : memref<400xi32, #tpu.memory_space<hbm>>) dst(%dma_wait3A_36 : memref<400xi32, #tpu.memory_space<vmem>>)
      tpu.yield
    }) : () -> ()
    %mul3A_21 = arith.constant 400 : i32
    %mul3A_22 = arith.muli %add3A, %mul3A_21 : i32
    %add3A_23 = arith.constant 51200 : i32
    %add3A_24 = arith.addi %add3A_23, %mul3A_22 : i32
    "tpu.region"() ({
      %run_scoped3A = tpu.sem_alloc : memref<!tpu.dma_semaphore, #tpu.memory_space<semaphore_mem>>
      %dma_start3A = arith.constant 1600 : i32
      %dma_start3A_28 = tpu.memref_slice %arg10[%dma_start3A] : memref<2000xi32, #tpu.memory_space<vmem>> -> memref<400xi32, #tpu.memory_space<vmem>>
      %dma_start3A_29 = tpu.memref_slice %arg4[%add3A_24] : memref<64000xi32, #tpu.memory_space<hbm>> -> memref<400xi32, #tpu.memory_space<hbm>>
      %dma_start3A_30 = arith.constant 1600 : i32
      %dma_start3A_31 = tpu.memref_slice %arg10[%dma_start3A_30] : memref<2000xi32, #tpu.memory_space<vmem>> -> memref<400xi32, #tpu.memory_space<vmem>>
      %dma_start3A_32 = tpu.memref_slice %arg4[%add3A_24] : memref<64000xi32, #tpu.memory_space<hbm>> -> memref<400xi32, #tpu.memory_space<hbm>>
      tpu.enqueue_dma source(%dma_start3A_32 : memref<400xi32, #tpu.memory_space<hbm>>) target(%dma_start3A_31 : memref<400xi32, #tpu.memory_space<vmem>>) target_semaphore(%run_scoped3A : memref<!tpu.dma_semaphore, #tpu.memory_space<semaphore_mem>>)
      %dma_wait3A = arith.constant 1600 : i32
      %dma_wait3A_33 = tpu.memref_slice %arg10[%dma_wait3A] : memref<2000xi32, #tpu.memory_space<vmem>> -> memref<400xi32, #tpu.memory_space<vmem>>
      %dma_wait3A_34 = tpu.memref_slice %arg4[%add3A_24] : memref<64000xi32, #tpu.memory_space<hbm>> -> memref<400xi32, #tpu.memory_space<hbm>>
      %dma_wait3A_35 = arith.constant 1600 : i32
      %dma_wait3A_36 = tpu.memref_slice %arg10[%dma_wait3A_35] : memref<2000xi32, #tpu.memory_space<vmem>> -> memref<400xi32, #tpu.memory_space<vmem>>
      %dma_wait3A_37 = tpu.memref_slice %arg4[%add3A_24] : memref<64000xi32, #tpu.memory_space<hbm>> -> memref<400xi32, #tpu.memory_space<hbm>>
      tpu.wait_dma2 semaphore(%run_scoped3A : memref<!tpu.dma_semaphore, #tpu.memory_space<semaphore_mem>>) src(%dma_wait3A_37 : memref<400xi32, #tpu.memory_space<hbm>>) dst(%dma_wait3A_36 : memref<400xi32, #tpu.memory_space<vmem>>)
      tpu.yield
    }) : () -> ()
    %barrier3A = arith.constant 0 : index
    tpu.barrier barrier_id(%barrier3A)
    %scan3A = arith.constant 0 : i32
    %scan3A_25 = arith.constant 0 : i32
    %scan3A_26 = arith.addi %scan3A, %scan3A_25 : i32
    %scan3A_27 = arith.constant 0 : i32
    return
  }
}

</mosaic_0001>

<sc_bundles>
// kernel: kernel.3.cloned.1.call-start
scs
__scs_entry_jumppad:
0x0: {  	(pc) =	sbr.rel $0x88, $3  }
0x1: {  	(tag) =	ssettag $0x0;
	lr =	simm.s32 $0x1  }
0x2: {  	[smem:$0x3F9F] =	sst lr;
	_ =	strace $0xD0000000  }
0x3: {  	_ = 	snop  }
0x4: {  	_ = 	snop  }
0x5: {  	_ = 	snop  }
0x6: {  	_ = 	snop  }
0x7: {  	_ = 	snop  }
__scs_overlays_trampoline_lowered:
0x8: {  	[smem:$0x3FAE] =	sst s0  }
0x9: {  	[smem:$0x3FAF] =	sst s1  }
0xa: {  	[smem:$0x3FB0] =	sst s2  }
0xb: {  	[smem:$0x3FB1] =	sst s3  }
0xc: {  	[smem:$0x3FB2] =	sst s4  }
0xd: {  	[smem:$0x3FB3] =	sst s5  }
0xe: {  	[smem:$0x3FB4] =	sst s6  }
0xf: {  	[smem:$0x3FB5] =	sst s7  }
0x10: {  	[smem:$0x3FB6] =	sst s8  }
0x11: {  	[smem:$0x3FB7] =	sst s9;
	s0 =	simm.s32 @!p0 $0x0  }
0x12: {  	s1 =	sld [smem:$0x3F9D];
	s0 =	simm.s32 @p0 $0x1  }
0x13: {  	[smem:$0x3FB8] =	sst s0;
	s0 =	simm.s32 @!p1 $0x0  }
0x14: {  	s2 =	sld [smem:$0x3F9C];
	s0 =	simm.s32 @p1 $0x1  }
0x15: {  	[smem:$0x3FB9] =	sst s0;
	s0 =	simm.s32 @!p2 $0x0  }
0x16: {  	s3 =	sld [smem:$0x3FDB];
	s0 =	simm.s32 @p2 $0x1  }
0x17: {  	s4 =	simm.s32 $0x1BF5;
	[smem:$0x3FBB] =	sst s0  }
0x18: {  	s0 =	sld [smem:$0x3F9E];
	_ =	swait.ge [sflag:s4], $0x0  }
0x19: {  	s7 =	sld [smem:$0x3F9F]  }
0x1a: {  	s8 =	sadd.s32 $0xFFFFE003, lr  }
0x1b: {  	s9 =	sadd.s32 $0xFFFFFEF7, lr;
	s5 =	simm.s32 $0xFFFFFFFF;
	p2 =	slt.u32 s8, $0xFFFFF086  }
0x1c: {  	p1 =	slt.u32 s9, $0xF7A;
	s5 =	simm.s32 @!p2 $0x0  }
0x1d: {  	s5 =	simm.s32 @p1 $0x1;
	p0 =	seq.s32 s7, s2  }
0x1e: {  	s7 =	smul.u32 @!p0 $0xF7A, s2;
	p2 =	seq.s32 @!p0 s5, $0x0  }
0x1f: {  	s9 =	smul.u32 $0xF7A, s1;
	s8 =	simm.s32 @!p0 $0x1BF5;
	p2 =	por !p2, p0  }
0x20: {  	[sflag:s8] =	ssyncset.s32 @!p0 $0xFFFFF086;
	s6 =	sadd.s32 @!p0 s3, s7;
	s7 =	simm.s32 @!p0 $0x108  }
0x21: {  	s3 =	sadd.s32 s3, s9;
	s6 =	sadd.s32 @!p0 $0x88, s6;
	s7 =	simm.s32 @p2 $0x1082  }
0x22: {  	[simem:s7], [sflag:s8] =	dma.local @!p0 [hbm:s6], $0xF7A  }
0x23: {  	s9 =	sor.u32 $0xD0000000, s2;
	s6 =	simm.s32 $0x108;
	_ =	swait.ge @!p0 [sflag:s8], $0x0  }
0x24: {  	s3 =	sadd.s32 $0x88, s3;
	s6 =	simm.s32 @!p1 $0x1082;
	[sflag:s4] =	ssyncset.s32 $0xFFFFF086  }
0x25: {  	[simem:s6], [sflag:s4] =	dma.local [hbm:s3], $0xF7A  }
0x26: {  	[smem:$0x3F9F] =	sst s1;
	(tag) =	ssettag s2;
	_ =	strace s9  }
0x27: {  	s1 =	sld [smem:$0x3FAF]  }
0x28: {  	s2 =	sld [smem:$0x3FB0]  }
0x29: {  	s4 =	sld [smem:$0x3FB2]  }
0x2a: {  	p0 =	seq.s32 s5, $0x0;
	s5 =	sld [smem:$0x3FB3]  }
0x2b: {  	s6 =	sld [smem:$0x3FB4]  }
0x2c: {  	s7 =	sld [smem:$0x3FB5]  }
0x2d: {  	s3 =	simm.s32 $0x108;
	s8 =	sld [smem:$0x3FB6]  }
0x2e: {  	s3 =	simm.s32 @!p0 $0x1082;
	s9 =	sld [smem:$0x3FB7]  }
0x2f: {  	lr =	sadd.s32 s0, s3;
	s0 =	sld [smem:$0x3FAE]  }
0x30: {  	s3 =	sld [smem:$0x3FB1]  }
0x31: {  	[smem:$0x3FBA] =	sst s10  }
0x32: {  	s10 =	sld [smem:$0x3FB8];
	_ =	sdelay $0x3  }
0x33: {  	p0 =	seq.s32 s10, $0x1;
	s10 =	sld [smem:$0x3FBA];
	_ =	sdelay $0x3  }
0x34: {  	[smem:$0x3FBA] =	sst s10  }
0x35: {  	s10 =	sld [smem:$0x3FB9];
	_ =	sdelay $0x3  }
0x36: {  	p1 =	seq.s32 s10, $0x1;
	s10 =	sld [smem:$0x3FBA];
	_ =	sdelay $0x3  }
0x37: {  	[smem:$0x3FBA] =	sst s10  }
0x38: {  	s10 =	sld [smem:$0x3FBB]  }
0x39: {  	_ = 	snop;
	(pc) =	sbr.ind lr, $3  }
0x3a: {  	_ = 	snop  }
0x3b: {  	_ = 	snop  }
0x3c: {  	p2 =	seq.s32 s10, $0x1;
	s10 =	sld [smem:$0x3FBA]  }
0x3d: {  	_ =	shalt  }
0x3e: {  	_ =	shalt  }
0x3f: {  	_ =	shalt  }
0x40: {  	_ =	shalt  }
0x41: {  	_ =	shalt  }
0x42: {  	_ =	shalt  }
0x43: {  	_ =	shalt  }
0x44: {  	_ =	shalt  }
0x45: {  	_ =	shalt  }
0x46: {  	_ =	shalt  }
0x47: {  	_ =	shalt  }
0x48: {  	_ =	shalt  }
0x49: {  	_ =	shalt  }
0x4a: {  	_ =	shalt  }
0x4b: {  	_ =	shalt  }
0x4c: {  	_ =	shalt  }
0x4d: {  	_ =	shalt  }
0x4e: {  	_ =	shalt  }
0x4f: {  	_ =	shalt  }
0x50: {  	_ =	shalt  }
0x51: {  	_ =	shalt  }
0x52: {  	_ =	shalt  }
0x53: {  	_ =	shalt  }
0x54: {  	_ =	shalt  }
0x55: {  	_ =	shalt  }
0x56: {  	_ =	shalt  }
0x57: {  	_ =	shalt  }
0x58: {  	_ =	shalt  }
0x59: {  	_ =	shalt  }
0x5a: {  	_ =	shalt  }
0x5b: {  	_ =	shalt  }
0x5c: {  	_ =	shalt  }
0x5d: {  	_ =	shalt  }
0x5e: {  	_ =	shalt  }
0x5f: {  	_ =	shalt  }
0x60: {  	_ =	shalt  }
0x61: {  	_ =	shalt  }
0x62: {  	_ =	shalt  }
0x63: {  	_ =	shalt  }
0x64: {  	_ =	shalt  }
0x65: {  	_ =	shalt  }
0x66: {  	_ =	shalt  }
0x67: {  	_ =	shalt  }
0x68: {  	_ =	shalt  }
0x69: {  	_ =	shalt  }
0x6a: {  	_ =	shalt  }
0x6b: {  	_ =	shalt  }
0x6c: {  	_ =	shalt  }
0x6d: {  	_ =	shalt  }
0x6e: {  	_ =	shalt  }
0x6f: {  	_ =	shalt  }
0x70: {  	_ =	shalt  }
0x71: {  	_ =	shalt  }
0x72: {  	_ =	shalt  }
0x73: {  	_ =	shalt  }
0x74: {  	_ =	shalt  }
0x75: {  	_ =	shalt  }
0x76: {  	_ =	shalt  }
0x77: {  	_ =	shalt  }
0x78: {  	_ =	shalt  }
0x79: {  	_ =	shalt  }
0x7a: {  	_ =	shalt  }
0x7b: {  	_ =	shalt  }
0x7c: {  	_ =	shalt  }
0x7d: {  	_ =	shalt  }
0x7e: {  	_ =	shalt  }
0x7f: {  	_ =	shalt  }
0x80: {  	_ =	shalt  }
0x81: {  	_ =	shalt  }
0x82: {  	_ =	shalt  }
0x83: {  	_ =	shalt  }
0x84: {  	_ =	shalt  }
0x85: {  	_ =	shalt  }
0x86: {  	_ =	shalt  }
0x87: {  	_ =	shalt  }
.Lfunc_end0:
.L_simem_size_0:
called_computation_lowered:
.L_overlay_start_0:
0x88: {  	s2 =	sld [smem:$0x3FD9]  }
0x89: {  	s3 =	sld [smem:$0x3FFE];
	_ =	sdelay $0x1  }
0x8a: {  	s1 =	srdreg.scid  }
0x8b: {  	s0 =	sand.u32 $0x1, s1  }
0x8c: {  	s17 =	sshll.u32 s0, $0xA;
	s2 =	sadd.s32 s3, s2  }
0x8d: {  	s2 =	sadd.s32 s2, s17  }
0x8e: {  	[smem:$0x3FC6] =	sst s2  }
0x8f: {  	_ = 	snop  }
0x90: {  	s2 =	sld [smem:$0x3FD0];
	(tm) =	ssettm $0x1  }
0x91: {  	s18 =	sld [smem:$0x3FFB];
	_ =	sdelay $0x3  }
0x92: {  	_ =	strace s18  }
0x93: {  	s3 =	sld [smem:$0x3FFC];
	_ =	sdelay $0x3  }
0x94: {  	_ =	strace s3  }
0x95: {  	s3 =	sld [smem:$0x3FFD];
	_ =	sdelay $0x3  }
0x96: {  	_ =	strace s3  }
0x97: {  	_ =	strace $0x8FFFFFFF  }
0x98: {  	s19 =	sld [smem:$0x3FDB];
	_ =	sdelay $0x1  }
0x99: {  	s4 =	simm.s32 $_scs_section_size  }
0x9a: {  	s5 =	simm.s32 $_size__tile_overlayer_lowered;
	s6 =	simm.s32 $_tile_overlayer_lowered  }
0x9b: {  	s22 =	simm.s32 $0x1BFF;
	s21 =	sshll.u32 s6, $0x1;
	s3 =	sadd.s32 s4, s19  }
0x9c: {  	s7 =	simm.s32 $0x0;
	s20 =	sshll.u32 s5, $0x1;
	s5 =	sadd.s32 s21, s3  }
0x9d: {  	[timem:s7], [sflag:s22] =	dma.local [hbm:s5], s20  }
0x9e: {  	_ =	swait.ge [sflag:s22], s20  }
0x9f: {  	s4 =	ssub.s32 $0x0, s20;
	[sflag:s22] =	ssyncset.done $0x0  }
0xa0: {  	[sflag:s22] =	ssyncadd.s32 s4;
	_ =	sdelay $0x1  }
0xa1: {  	s23 =	simm.s32 $0x1B8B  }
0xa2: {  	_ =	swait.ge [sflag:s23], $0x1  }
0xa3: {  	[sflag:s23] =	ssyncset.done $0x0  }
0xa4: {  	s25 =	simm.s32 $0x1B8E;
	s24 =	sld [smem:$0x3FFE];
	[sflag:s23] =	ssyncadd.s32 $0xFFFFFFFF  }
0xa5: {  	s26 =	simm.s32 $execute0_lowered;
	[smem:$0x3FD2] =	sst s25  }
0xa6: {  	s5 =	sshll.u32 s26, $0x1;
	_ =	strace $0x80000046;
	[dreg:$0x1] =	wrdreg $0xFFFFFFFF  }
0xa7: {  	s28 =	simm.s32 $_size_execute0_lowered;
	s3 =	sadd.s32 s3, s5;
	[dreg:$0x0] =	wrdreg $0x0  }
0xa8: {  	s5 =	sshll.u32 s28, $0x1;
	[dreg:$0x2] =	wrdreg s3  }
0xa9: {  	[dreg:$0x3] =	wrdreg s5  }
0xaa: {  	[dreg:$0x4] =	wrdreg $0xC0  }
0xab: {  	_ =	task [dreg:s7], $0x5FFFF  }
0xac: {  	[dreg:$0x1] =	wrdreg $0xFFFFFFFF  }
0xad: {  	[dreg:$0x0] =	wrdreg $0x60  }
0xae: {  	[dreg:$0x2] =	wrdreg s2  }
0xaf: {  	[dreg:$0x3] =	wrdreg s24  }
0xb0: {  	[dreg:$0x4] =	wrdreg $0x31000  }
0xb1: {  	[dreg:$0x5] =	wrdreg $0x9  }
0xb2: {  	_ =	task.clear_ibuf [dreg:s7], $0x6FFFF;
	_ =	strace $0x90000046  }
0xb3: {  	s29 =	simm.s32 $0x9;
	_ =	strace $0x80000048  }
0xb4: {  	_ =	swait.ge [sflag:s29], $0x1  }
0xb5: {  	[sflag:s29] =	ssyncadd.s32 $0xFFFFFFFF  }
0xb6: {  	_ =	strace $0x90000048  }
0xb7: {  	_ =	sfence  }
0xb8: {  	s30 =	sld [smem:$0x0];
	_ =	sdelay $0x2  }
0xb9: {  	s31 =	sshll.u32 s1, $0xD;
	s1 =	sshrl.u32 s1, $0x2  }
0xba: {  	s3 =	sand.u32 $0x4000, s31;
	s1 =	sadd.s32 s1, s30  }
0xbb: {  	s0 =	sor.u32 s3, s0;
	s1 =	sshll.u32 s1, $0x11  }
0xbc: {  	s0 =	sor.u32 s1, s0  }
0xbd: {  	s0 =	sadd.s32 $0x8F2B, s0  }
0xbe: {  	[sflag:s0] =	ssyncadd.remote.s32 $0x1  }
0xbf: {  	_ =	sfence.sel $0xFFFF  }
0xc0: {  	[dreg:$0x0] =	wrdreg $0xFFFFFFFF;
	(pc) =	sbr.abs _section_cstart, $3  }
0xc1: {  	[dreg:$0x1] =	wrdreg $0xFFFFFFFF  }
0xc2: {  	_ =	task.clear_ibuf [dreg:s7], $0x2FFFF;
	_ =	strace $0x9FFFFFFF  }
0xc3: {  	(tm) =	ssettm $0x7FFFFFFF  }
tec
execute0_lowered:
.L_overlay_start_1:
0x0: {  	(tag) =	ssettag $0x1  }
0x1: {  	s8 =	rddreg [dreg:$0x0]  }
0x2: {  	s10 =	rddreg [dreg:$0x1]  }
0x3: {  	s1 =	rddreg [dreg:$0x2]  }
0x4: {  	s0 =	rddreg [dreg:$0x3];
	s2 =	simm.s32 $0x0  }
0x5: {  	s4 =	simm.s32 $0x1100;
	[smem:$0x7FF] =	sst s2  }
0x6: {  	s5 =	simm.s32 $0x1;
	s3 =	sadd.s32 $0x2800, s10;
	_ =	strace $0x80000047  }
0x7: {  	[tilespmem:s4], [sflag:$0x1] =	stream.linear.gather [hbm4b:s3+s2], $0x2000, $0x38;
	[tilespmem:$0x3300] =	vst v63  }
0x8: {  	_ =	swait.ge [sflag:s5], $0x2000  }
0x9: {  	[sflag:s5] =	ssyncset.done $0x0  }
0xa: {  	[sflag:s5] =	ssyncadd.s32 $0xFFFFE000  }
0xb: {  	[spmem:s1] =	stream.linear.scatter [tilespmem:s4], [sflag:$0x1], $0x2000, $0x38;
	[tilespmem:$0x3300] =	vst v63  }
0xc: {  	s7 =	srdreg.scid;
	s6 =	stileid.u32;
	_ =	swait.ge [sflag:s5], $0x2000  }
0xd: {  	s16 =	sand.u32 $0x1, s7;
	s30 =	sshll.u32 s6, $0x1;
	[sflag:s5] =	ssyncset.done $0x0  }
0xe: {  	s7 =	sadd.s32 $0x2600, s10;
	s9 =	sor.u32 s16, s30;
	[sflag:s5] =	ssyncadd.s32 $0xFFFFE000  }
0xf: {  	[tilespmem:s2], [sflag:$0x1] =	stream.linear.gather [hbm4b:s7+s2], $0x100, $0x38;
	[tilespmem:$0x3300] =	vst v63  }
0x10: {  	s11 =	smul.u32 $0xFA, s9;
	_ =	swait.ge [sflag:s5], $0x100  }
0x11: {  	s12 =	smul.u32 $0x190, s9;
	[sflag:s5] =	ssyncset.done $0x0  }
0x12: {  	s9 =	simm.s32 $0x100;
	s8 =	sadd.s32 s8, s11;
	[sflag:s5] =	ssyncadd.s32 $0xFFFFFF00  }
0x13: {  	[tilespmem:s9], [sflag:$0x1] =	stream.linear.gather [hbm4b:s8+s2], $0x7D0, $0x38;
	[tilespmem:$0x3300] =	vst v63  }
0x14: {  	s31 =	sshrl.u32 s12, $0x3;
	_ =	swait.ge [sflag:s5], $0x7D0  }
0x15: {  	s18 =	sadd.s32 s31, s10;
	[sflag:s5] =	ssyncset.done $0x0  }
0x16: {  	s11 =	simm.s32 $0x900;
	s10 =	sadd.s32 $0x600, s18;
	[sflag:s5] =	ssyncadd.s32 $0xFFFFF830  }
0x17: {  	[tilespmem:s11], [sflag:$0x1] =	stream.linear.gather [hbm4b:s10+s2], $0x190, $0x38;
	[tilespmem:$0x3300] =	vst v63  }
0x18: {  	_ =	swait.ge [sflag:s5], $0x190  }
0x19: {  	[sflag:s5] =	ssyncset.done $0x0  }
0x1a: {  	s13 =	simm.s32 $0xA90;
	s12 =	sadd.s32 $0xC40, s18;
	[sflag:s5] =	ssyncadd.s32 $0xFFFFFE70  }
0x1b: {  	[tilespmem:s13], [sflag:$0x1] =	stream.linear.gather [hbm4b:s12+s2], $0x190, $0x38;
	[tilespmem:$0x3300] =	vst v63  }
0x1c: {  	_ =	swait.ge [sflag:s5], $0x190  }
0x1d: {  	[sflag:s5] =	ssyncset.done $0x0  }
0x1e: {  	s15 =	simm.s32 $0xC20;
	s14 =	sadd.s32 $0x1280, s18;
	[sflag:s5] =	ssyncadd.s32 $0xFFFFFE70  }
0x1f: {  	[tilespmem:s15], [sflag:$0x1] =	stream.linear.gather [hbm4b:s14+s2], $0x190, $0x38;
	[tilespmem:$0x3300] =	vst v63  }
0x20: {  	s19 =	ssub.s32 $0x2, s16;
	_ =	swait.ge [sflag:s5], $0x190  }
0x21: {  	s17 =	simm.s32 $0xDB0;
	s20 =	sshrl.u32 s19, $0x1;
	[sflag:s5] =	ssyncset.done $0x0  }
0x22: {  	s20 =	ssub.s32 s19, s20;
	s16 =	sadd.s32 $0x18C0, s18;
	[sflag:s5] =	ssyncadd.s32 $0xFFFFFE70  }
0x23: {  	[tilespmem:s17], [sflag:$0x1] =	stream.linear.gather [hbm4b:s16+s2], $0x190, $0x38;
	[tilespmem:$0x3300] =	vst v63  }
0x24: {  	s20 =	smax.u32 s20, $0x1;
	_ =	swait.ge [sflag:s5], $0x190  }
0x25: {  	s19 =	simm.s32 $0xF40;
	p0 =	sne.s32 s20, $0x1;
	[sflag:s5] =	ssyncset.done $0x0  }
.Ltmp0:
0x26: {  	s18 =	sadd.s32 $0x1F00, s18;
	[sflag:s5] =	ssyncadd.s32 $0xFFFFFE70;
	(pc) =	sbr.rel @!p0 .LBB2_2-.Ltmp0, $4  }
0x27: {  	[tilespmem:s19], [sflag:$0x1] =	stream.linear.gather [hbm4b:s18+s2], $0x190, $0x38;
	[tilespmem:$0x3300] =	vst v63  }
0x28: {  	_ =	swait.ge [sflag:s5], $0x190  }
0x29: {  	[sflag:s5] =	ssyncset.done $0x0  }
0x2a: {  	s20 =	sadd.s32 $0xFFFFFFFF, s20;
	[sflag:s5] =	ssyncadd.s32 $0xFFFFFE70  }
.LBB2_1:
0x2b: {  	p0 =	sne.s32 s20, $0x1;
	s20 =	sadd.s32 $0xFFFFFFFF, s20;
	[bflag:$0x0] =	sbarrier.arrive $0xFFFF  }
0x2c: {  	[tilespmem:s4], [sflag:$0x1] =	stream.linear.gather [hbm4b:s3+s2], $0x2000, $0x38;
	[tilespmem:$0x3300] =	vst v63  }
0x2d: {  	_ =	swait.ge [sflag:s5], $0x2000  }
0x2e: {  	[sflag:s5] =	ssyncset.done $0x0  }
0x2f: {  	[sflag:s5] =	ssyncadd.s32 $0xFFFFE000  }
0x30: {  	[spmem:s1] =	stream.linear.scatter [tilespmem:s4], [sflag:$0x1], $0x2000, $0x38;
	[tilespmem:$0x3300] =	vst v63  }
0x31: {  	_ =	swait.ge [sflag:s5], $0x2000  }
0x32: {  	[sflag:s5] =	ssyncset.done $0x0  }
0x33: {  	[sflag:s5] =	ssyncadd.s32 $0xFFFFE000  }
0x34: {  	[tilespmem:s2], [sflag:$0x1] =	stream.linear.gather [hbm4b:s7+s2], $0x100, $0x38;
	[tilespmem:$0x3300] =	vst v63  }
0x35: {  	_ =	swait.ge [sflag:s5], $0x100  }
0x36: {  	[sflag:s5] =	ssyncset.done $0x0  }
0x37: {  	[sflag:s5] =	ssyncadd.s32 $0xFFFFFF00  }
0x38: {  	[tilespmem:s9], [sflag:$0x1] =	stream.linear.gather [hbm4b:s8+s2], $0x7D0, $0x38;
	[tilespmem:$0x3300] =	vst v63  }
0x39: {  	_ =	swait.ge [sflag:s5], $0x7D0  }
0x3a: {  	[sflag:s5] =	ssyncset.done $0x0  }
0x3b: {  	[sflag:s5] =	ssyncadd.s32 $0xFFFFF830  }
0x3c: {  	[tilespmem:s11], [sflag:$0x1] =	stream.linear.gather [hbm4b:s10+s2], $0x190, $0x38;
	[tilespmem:$0x3300] =	vst v63  }
0x3d: {  	_ =	swait.ge [sflag:s5], $0x190  }
0x3e: {  	[sflag:s5] =	ssyncset.done $0x0  }
0x3f: {  	[sflag:s5] =	ssyncadd.s32 $0xFFFFFE70  }
0x40: {  	[tilespmem:s13], [sflag:$0x1] =	stream.linear.gather [hbm4b:s12+s2], $0x190, $0x38;
	[tilespmem:$0x3300] =	vst v63  }
0x41: {  	_ =	swait.ge [sflag:s5], $0x190  }
0x42: {  	[sflag:s5] =	ssyncset.done $0x0  }
0x43: {  	[sflag:s5] =	ssyncadd.s32 $0xFFFFFE70  }
0x44: {  	[tilespmem:s15], [sflag:$0x1] =	stream.linear.gather [hbm4b:s14+s2], $0x190, $0x38;
	[tilespmem:$0x3300] =	vst v63  }
0x45: {  	_ =	swait.ge [sflag:s5], $0x190  }
0x46: {  	[sflag:s5] =	ssyncset.done $0x0  }
0x47: {  	[sflag:s5] =	ssyncadd.s32 $0xFFFFFE70  }
0x48: {  	[tilespmem:s17], [sflag:$0x1] =	stream.linear.gather [hbm4b:s16+s2], $0x190, $0x38;
	[tilespmem:$0x3300] =	vst v63  }
0x49: {  	_ =	swait.ge [sflag:s5], $0x190  }
0x4a: {  	[sflag:s5] =	ssyncset.done $0x0  }
.Ltmp1:
0x4b: {  	[sflag:s5] =	ssyncadd.s32 $0xFFFFFE70;
	(pc) =	sbr.rel @p0 .LBB2_1-.Ltmp1, $4  }
0x4c: {  	[tilespmem:s19], [sflag:$0x1] =	stream.linear.gather [hbm4b:s18+s2], $0x190, $0x38;
	[tilespmem:$0x3300] =	vst v63  }
0x4d: {  	_ =	swait.ge [sflag:s5], $0x190  }
0x4e: {  	[sflag:s5] =	ssyncset.done $0x0  }
0x4f: {  	[sflag:s5] =	ssyncadd.s32 $0xFFFFFE70  }
.LBB2_2:
0x50: {  	[bflag:$0x0] =	sbarrier.arrive $0xFFFF  }
0x51: {  	_ =	sfence.sel $0x180000  }
0x52: {  	[bflag:$0x0] =	sbarrier.arrive $0xFFFF  }
0x53: {  	p0 =	sne.s32 s6, $0x0;
	_ =	strace $0x90000047  }
0x54: {  	s0 =	sadd.s32 @!p0 $0x100000, s0;
	[bflag:$0x2] =	sbarrier.arrive $0xFFFF  }
0x55: {  	[sflag:s0] =	ssyncadd.tile.s32 @!p0 $0x1;
	_ =	shalt  }
.Lfunc_end2:
_tile_overlayer_lowered:
.L_overlay_start_2:
0x56: {  	(tag) =	ssettag $0x2  }
0x57: {  	s0 =	rddreg [dreg:$0x0];
	s2 =	stileid.u32  }
0x58: {  	s1 =	rddreg [dreg:$0x1];
	p0 =	sne.s32 s2, $0x0  }
0x59: {  	s3 =	rddreg [dreg:$0x2];
	[bflag:$0x3] =	sbarrier.arrive $0xFFFF;
	s2 =	simm.s32 @!p0 $0x1C01  }
0x5a: {  	[timem:s3], [sflag:s2] =	dma.local @!p0 [hbm:s0], s1  }
0x5b: {  	s0 =	simm.s32 @!p0 $0x1  }
0x5c: {  	_ =	swait.ge @!p0 [sflag:s0], s1  }
0x5d: {  	s1 =	ssub.s32 @!p0 $0x0, s1;
	[sflag:s0] =	ssyncset.done @!p0 $0x0  }
0x5e: {  	[sflag:s0] =	ssyncadd.s32 @!p0 s1  }
0x5f: {  	[bflag:$0x3] =	sbarrier.arrive $0xFFFF  }
0x60: {  	_ =	shalt  }

</sc_bundles>
